<compile_context>
chip_gen: v7x
topology: tpu7x:2x2x1
jax: 0.10.2.dev20260603
libtpu: 0.0.44.dev20260713+nightly
codegen_flags: <defaults>
</compile_context>

<pallas_src>
import functools
import math

import jax
import jax.numpy as jnp
from jax.experimental import pallas as pl
from jax.experimental.pallas import tpu as pltpu

_D = 768
_NH = 8


def _norms_body(x_ref, o_ref):
    x = x_ref[...]
    o_ref[...] = jnp.sqrt(jnp.sum(x * x, axis=1, keepdims=True))


def _row_norms(x):
    n = x.shape[0]
    return pl.pallas_call(
        _norms_body,
        out_shape=jax.ShapeDtypeStruct((n, 1), jnp.float32),
    )(x)


def _top2_body(xr_ref, xf_ref, nr_ref, nc_ref, o_ref, *, n):
    blk = xr_ref.shape[0]
    dots = jax.lax.dot_general(
        xr_ref[...], xf_ref[...], (((1,), (1,)), ((), ())),
        preferred_element_type=jnp.float32)
    denom = jnp.maximum(nr_ref[...] * nc_ref[...], 1e-8)
    sim = dots / denom
    colid = jax.lax.broadcasted_iota(jnp.int32, (blk, n), 1)
    m1 = jnp.max(sim, axis=1, keepdims=True)
    i1 = jnp.min(jnp.where(sim == m1, colid, n), axis=1, keepdims=True)
    sim2 = jnp.where(colid == i1, -jnp.inf, sim)
    m2 = jnp.max(sim2, axis=1, keepdims=True)
    i2 = jnp.min(jnp.where(sim2 == m2, colid, n), axis=1, keepdims=True)
    lane = jax.lax.broadcasted_iota(jnp.int32, (blk, 128), 1)
    o_ref[...] = jnp.where(lane == 0, i1, jnp.where(lane == 1, i2, 0))


def _top2_pairs(x, norms, k):
    n = x.shape[0]
    blk = 200 if k % 400 else 400
    grid = k // blk
    nc = norms.reshape(1, n)
    out = pl.pallas_call(
        functools.partial(_top2_body, n=n),
        grid=(grid,),
        in_specs=[
            pl.BlockSpec((blk, _D), lambda i: (i, 0)),
            pl.BlockSpec((n, _D), lambda i: (0, 0)),
            pl.BlockSpec((blk, 1), lambda i: (i, 0)),
            pl.BlockSpec((1, n), lambda i: (0, 0)),
        ],
        out_specs=pl.BlockSpec((blk, 128), lambda i: (i, 0)),
        out_shape=jax.ShapeDtypeStruct((k, 128), jnp.int32),
    )(x, x, norms, nc)
    return out[:, :2]


def _scan_body(pairs_ref, x_ref, o_ref, buf_ref, *, k, keep, wa, wb):
    buf_ref[...] = x_ref[...]

    def step(j, carry):
        a = pairs_ref[j, 0]
        b = pairs_ref[j, 1]
        ra = buf_ref[pl.ds(a, 1), :]
        rb = buf_ref[pl.ds(b, 1), :]
        new = ra * wa + rb * wb
        buf_ref[pl.ds(a, 1), :] = new
        buf_ref[pl.ds(b, 1), :] = new
        return carry

    jax.lax.fori_loop(0, k, step, 0, unroll=False)
    o_ref[...] = buf_ref[pl.ds(0, keep), :]


def _merge_scan(x, pairs, k, wa, wb):
    n = x.shape[0]
    keep = n - k
    return pl.pallas_call(
        functools.partial(_scan_body, k=k, keep=keep, wa=wa, wb=wb),
        in_specs=[
            pl.BlockSpec(memory_space=pltpu.SMEM),
            pl.BlockSpec(memory_space=pltpu.VMEM),
        ],
        out_specs=pl.BlockSpec(memory_space=pltpu.VMEM),
        out_shape=jax.ShapeDtypeStruct((keep, _D), jnp.float32),
        scratch_shapes=[pltpu.VMEM((n, _D), jnp.float32)],
    )(pairs, x)


def _merge(tokens, ratio, wa, wb):
    n = tokens.shape[0]
    k = int(n * ratio)
    norms = _row_norms(tokens)
    pairs = _top2_pairs(tokens, norms, k)
    return _merge_scan(tokens, pairs, k, wa, wb)


def _qkv_body(x_ref, w_ref, b_ref, o_ref):
    o_ref[...] = jax.lax.dot_general(
        x_ref[...], w_ref[...], (((1,), (1,)), ((), ())),
        preferred_element_type=jnp.float32) + b_ref[...]


def _attn_body(q_ref, k_ref, v_ref, o_ref, *, scale):
    q = q_ref[0]
    k = k_ref[0]
    v = v_ref[0]
    s = jax.lax.dot_general(
        q, k, (((1,), (1,)), ((), ())),
        preferred_element_type=jnp.float32) / scale
    m = jnp.max(s, axis=1, keepdims=True)
    e = jnp.exp(s - m)
    p = e / jnp.sum(e, axis=1, keepdims=True)
    o_ref[0] = jax.lax.dot_general(
        p, v, (((1,), (0,)), ((), ())), preferred_element_type=jnp.float32)


def _ln(r, g_ref, b_ref):
    m = jnp.mean(r, axis=1, keepdims=True)
    v = jnp.mean((r - m) ** 2, axis=1, keepdims=True)
    return (r - m) / jnp.sqrt(v + 1e-5) * g_ref[...] + b_ref[...]


def _proj_ln_body(o_ref, w_ref, b_ref, x_ref, g_ref, bb_ref, out_ref):
    y = jax.lax.dot_general(
        o_ref[...], w_ref[...], (((1,), (1,)), ((), ())),
        preferred_element_type=jnp.float32) + b_ref[...]
    out_ref[...] = _ln(x_ref[...] + y, g_ref, bb_ref)


def _mha_block(x, in_w, in_b, out_w, out_b, g, b):
    l = x.shape[0]
    hd = _D // _NH
    qkv = pl.pallas_call(
        _qkv_body,
        out_shape=jax.ShapeDtypeStruct((l, 3 * _D), jnp.float32),
    )(x, in_w, in_b.reshape(1, -1))
    q, k, v = jnp.split(qkv, 3, axis=-1)
    q = q.reshape(l, _NH, hd).transpose(1, 0, 2)
    k = k.reshape(l, _NH, hd).transpose(1, 0, 2)
    v = v.reshape(l, _NH, hd).transpose(1, 0, 2)
    o = pl.pallas_call(
        functools.partial(_attn_body, scale=hd ** 0.5),
        grid=(_NH,),
        in_specs=[
            pl.BlockSpec((1, l, hd), lambda i: (i, 0, 0)),
            pl.BlockSpec((1, l, hd), lambda i: (i, 0, 0)),
            pl.BlockSpec((1, l, hd), lambda i: (i, 0, 0)),
        ],
        out_specs=pl.BlockSpec((1, l, hd), lambda i: (i, 0, 0)),
        out_shape=jax.ShapeDtypeStruct((_NH, l, hd), jnp.float32),
    )(q, k, v)
    o = o.transpose(1, 0, 2).reshape(l, _D)
    return pl.pallas_call(
        _proj_ln_body,
        out_shape=jax.ShapeDtypeStruct((l, _D), jnp.float32),
    )(o, out_w, out_b.reshape(1, -1), x, g.reshape(1, -1), b.reshape(1, -1))


def _ffn1_body(x_ref, w_ref, b_ref, o_ref):
    h = jax.lax.dot_general(
        x_ref[...], w_ref[...], (((1,), (1,)), ((), ())),
        preferred_element_type=jnp.float32) + b_ref[...]
    o_ref[...] = 0.5 * h * (1.0 + jax.lax.erf(h * math.sqrt(0.5)))


def _ffn2_body(h_ref, w_ref, b_ref, x_ref, g_ref, bb_ref, o_ref):
    y = jax.lax.dot_general(
        h_ref[...], w_ref[...], (((1,), (1,)), ((), ())),
        preferred_element_type=jnp.float32) + b_ref[...]
    o_ref[...] = _ln(x_ref[...] + y, g_ref, bb_ref)


def _ffn_block(x, w1, b1, w2, b2, g, b):
    l = x.shape[0]
    dh = w1.shape[0]
    nblk = 4
    h = pl.pallas_call(
        _ffn1_body,
        grid=(nblk,),
        in_specs=[
            pl.BlockSpec((l, _D), lambda i: (0, 0)),
            pl.BlockSpec((dh // nblk, _D), lambda i: (i, 0)),
            pl.BlockSpec((1, dh // nblk), lambda i: (0, i)),
        ],
        out_specs=pl.BlockSpec((l, dh // nblk), lambda i: (0, i)),
        out_shape=jax.ShapeDtypeStruct((l, dh), jnp.float32),
    )(x, w1, b1.reshape(1, -1))
    return pl.pallas_call(
        _ffn2_body,
        out_shape=jax.ShapeDtypeStruct((l, _D), jnp.float32),
    )(h, w2, b2.reshape(1, -1), x, g.reshape(1, -1), b.reshape(1, -1))


def kernel(video_frames, attn_in_w, attn_in_b, attn_out_w, attn_out_b,
           ln1_g, ln1_b, ffn_w1, ffn_b1, ffn_w2, ffn_b2, ln2_g, ln2_b):
    tokens = video_frames.reshape(-1, video_frames.shape[-1])
    tokens = _merge(tokens, 0.5, 0.5, 0.5)
    tokens = _merge(tokens, 0.5, 0.5, 0.5)
    tokens = _mha_block(tokens, attn_in_w, attn_in_b, attn_out_w, attn_out_b,
                        ln1_g, ln1_b)
    tokens = _merge(tokens, 0.25, 0.6, 0.4)
    return _ffn_block(tokens, ffn_w1, ffn_b1, ffn_w2, ffn_b2, ln2_g, ln2_b)

# --- scband reference (transcript-rebuilt; emitter-appended) ---
"""Pipeline reference for scband-temp-me-23235773071502 (READ-ONLY COPY).

The authoritative reference and input builder live on the scoring server;
editing this copy changes nothing except your own understanding.
"""

import jax, jax.numpy as jnp
import numpy as np

D = 768
NH = 8


def setup_inputs(seed: int = 0) -> dict:
    key = jax.random.key(seed)
    ks = jax.random.split(key, 8)
    s = 0.02
    inp = {}
    inp["video_frames"] = jax.random.normal(ks[0], (64, 50, D), dtype=jnp.float32)
    inp["attn_in_w"] = jax.random.normal(ks[1], (3 * D, D), dtype=jnp.float32) * s
    inp["attn_in_b"] = jnp.zeros((3 * D,), dtype=jnp.float32)
    inp["attn_out_w"] = jax.random.normal(ks[2], (D, D), dtype=jnp.float32) * s
    inp["attn_out_b"] = jnp.zeros((D,), dtype=jnp.float32)
    inp["ln1_g"] = jnp.ones((D,), dtype=jnp.float32)
    inp["ln1_b"] = jnp.zeros((D,), dtype=jnp.float32)
    inp["ffn_w1"] = jax.random.normal(ks[3], (4 * D, D), dtype=jnp.float32) * s
    inp["ffn_b1"] = jnp.zeros((4 * D,), dtype=jnp.float32)
    inp["ffn_w2"] = jax.random.normal(ks[4], (D, 4 * D), dtype=jnp.float32) * s
    inp["ffn_b2"] = jnp.zeros((D,), dtype=jnp.float32)
    inp["ln2_g"] = jnp.ones((D,), dtype=jnp.float32)
    inp["ln2_b"] = jnp.zeros((D,), dtype=jnp.float32)
    return inp


def _merge(tokens, ratio, wa, wb):
    N, d = tokens.shape
    num_merge = int(N * ratio)
    if num_merge == 0:
        return tokens
    norms = jnp.linalg.norm(tokens, axis=-1)
    sim = (tokens @ tokens.T) / jnp.maximum(norms[:, None] * norms[None, :], 1e-8)
    _, idx = jax.lax.top_k(sim, num_merge)
    pairs = idx[:num_merge, :2]

    def body(t, pair):
        a = pair[0]
        b = pair[1]
        new_a = t[a] * wa + t[b] * wb
        t = t.at[a].set(new_a)
        t = t.at[b].set(new_a)
        return t, None

    tokens, _ = jax.lax.scan(body, tokens, pairs)
    return tokens[: N - num_merge]


def _layernorm(x, g, b, eps=1e-5):
    m = x.mean(-1, keepdims=True)
    v = ((x - m) ** 2).mean(-1, keepdims=True)
    return (x - m) / jnp.sqrt(v + eps) * g + b


def _mha(x, in_w, in_b, out_w, out_b, nh=NH):
    L, d = x.shape
    qkv = x @ in_w.T + in_b
    q, k, v = jnp.split(qkv, 3, axis=-1)
    hd = d // nh
    q = q.reshape(L, nh, hd).transpose(1, 0, 2)
    k = k.reshape(L, nh, hd).transpose(1, 0, 2)
    v = v.reshape(L, nh, hd).transpose(1, 0, 2)
    att = jax.nn.softmax((q @ k.transpose(0, 2, 1)) / (hd ** 0.5), axis=-1)
    o = (att @ v).transpose(1, 0, 2).reshape(L, d)
    return o @ out_w.T + out_b


def reference(video_frames, attn_in_w, attn_in_b, attn_out_w, attn_out_b,
              ln1_g, ln1_b, ffn_w1, ffn_b1, ffn_w2, ffn_b2, ln2_g, ln2_b):
    rr = 0.5
    tokens = video_frames.reshape(video_frames.shape[0], -1, video_frames.shape[-1])
    tokens = tokens.reshape(-1, tokens.shape[-1])
    # img_me_block
    tokens = _merge(tokens, rr, 0.5, 0.5)
    # cross_clip_merging
    tokens = _merge(tokens, rr, 0.5, 0.5)
    attn_out = _mha(tokens, attn_in_w, attn_in_b, attn_out_w, attn_out_b)
    tokens = _layernorm(tokens + attn_out, ln1_g, ln1_b)
    # intra_clip_merging
    tokens = _merge(tokens, rr / 2, 0.6, 0.4)
    h = jax.nn.gelu(tokens @ ffn_w1.T + ffn_b1, approximate=False)
    ffn_out = h @ ffn_w2.T + ffn_b2
    tokens = _layernorm(tokens + ffn_out, ln2_g, ln2_b)
    return tokens

if __name__ == "__main__":
    import jax
    _d = setup_inputs()
    print(jax.jit(kernel)(*tuple(_d.values())))

</pallas_src>

<mosaic_0001>
module attributes {stable_mosaic.version = 14 : i64} {
  func.func @_qkv_body(%arg0: memref<800x768xf32, #tpu.memory_space<vmem>>, %arg1: memref<2304x768xf32, #tpu.memory_space<vmem>>, %arg2: memref<1x2304xf32, #tpu.memory_space<vmem>>, %arg3: memref<800x2304xf32, #tpu.memory_space<vmem>>) attributes {dimension_semantics = [], scalar_prefetch = 0 : i64, scratch_operands = 0 : i64, tpu.core_type = #tpu.core_type<tc>} {
    %get3A = arith.constant 0 : index
    %get3A_0 = arith.constant 0 : index
    %get3A_1 = vector.load %arg0[%get3A, %get3A_0] : memref<800x768xf32, #tpu.memory_space<vmem>>, vector<800x768xf32>
    %get3A_2 = arith.constant 0 : index
    %get3A_3 = arith.constant 0 : index
    %get3A_4 = vector.load %arg1[%get3A_2, %get3A_3] : memref<2304x768xf32, #tpu.memory_space<vmem>>, vector<2304x768xf32>
    %dot_general3A = arith.constant dense<0.000000e+00> : vector<800x2304xf32>
    %dot_general3A_5 = tpu.matmul %get3A_1, %get3A_4, %dot_general3A {dimension_numbers = #tpu.dot_dimension_numbers<[1], [1], [0], [0], [0, 0, 1, 0], [], []>, transpose_lhs_hint = false} : vector<800x768xf32>, vector<2304x768xf32>, vector<800x2304xf32> -> vector<800x2304xf32>
    %get3A_6 = arith.constant 0 : index
    %get3A_7 = arith.constant 0 : index
    %get3A_8 = vector.load %arg2[%get3A_6, %get3A_7] : memref<1x2304xf32, #tpu.memory_space<vmem>>, vector<1x2304xf32>
    %add3A = vector.broadcast %get3A_8 : vector<1x2304xf32> to vector<800x2304xf32>
    %add3A_9 = arith.addf %dot_general3A_5, %add3A : vector<800x2304xf32>
    %swap3A = arith.constant 0 : index
    %swap3A_10 = arith.constant 0 : index
    %swap3A_11 = vector.load %arg3[%swap3A, %swap3A_10] : memref<800x2304xf32, #tpu.memory_space<vmem>>, vector<800x2304xf32>
    tpu.vector_store %arg3[%swap3A, %swap3A_10], %add3A_9 {strides = array<i32>} : memref<800x2304xf32, #tpu.memory_space<vmem>>, vector<800x2304xf32>,
    return
  }
}

module attributes {stable_mosaic.version = 14 : i64} {
  func.func @_attn_body(%arg0: i32, %arg1: memref<1x800x96xf32, #tpu.memory_space<vmem>>, %arg2: memref<1x800x96xf32, #tpu.memory_space<vmem>>, %arg3: memref<1x800x96xf32, #tpu.memory_space<vmem>>, %arg4: memref<1x800x96xf32, #tpu.memory_space<vmem>>) attributes {dimension_semantics = [#tpu.dimension_semantics<arbitrary>], iteration_bounds = array<i64: 8>, scalar_prefetch = 0 : i64, scratch_operands = 0 : i64, tpu.core_type = #tpu.core_type<tc>, window_params = [{transform_indices = @transform_0, window_bounds = array<i64: 1, 800, 96>}, {transform_indices = @transform_1, window_bounds = array<i64: 1, 800, 96>}, {transform_indices = @transform_2, window_bounds = array<i64: 1, 800, 96>}, {transform_indices = @transform_3, window_bounds = array<i64: 1, 800, 96>}]} {
    %get3A = arith.constant 0 : index
    %get3A_0 = arith.constant 0 : index
    %get3A_1 = arith.constant 0 : index
    %get3A_2 = vector.load %arg1[%get3A, %get3A_0, %get3A_1] : memref<1x800x96xf32, #tpu.memory_space<vmem>>, vector<1x800x96xf32>
    %get3A_3 = vector.shape_cast %get3A_2 : vector<1x800x96xf32> to vector<800x96xf32>
    %get3A_4 = arith.constant 0 : index
    %get3A_5 = arith.constant 0 : index
    %get3A_6 = arith.constant 0 : index
    %get3A_7 = vector.load %arg2[%get3A_4, %get3A_5, %get3A_6] : memref<1x800x96xf32, #tpu.memory_space<vmem>>, vector<1x800x96xf32>
    %get3A_8 = vector.shape_cast %get3A_7 : vector<1x800x96xf32> to vector<800x96xf32>
    %get3A_9 = arith.constant 0 : index
    %get3A_10 = arith.constant 0 : index
    %get3A_11 = arith.constant 0 : index
    %get3A_12 = vector.load %arg3[%get3A_9, %get3A_10, %get3A_11] : memref<1x800x96xf32, #tpu.memory_space<vmem>>, vector<1x800x96xf32>
    %get3A_13 = vector.shape_cast %get3A_12 : vector<1x800x96xf32> to vector<800x96xf32>
    %dot_general3A = arith.constant dense<0.000000e+00> : vector<800x800xf32>
    %dot_general3A_14 = tpu.matmul %get3A_3, %get3A_8, %dot_general3A {dimension_numbers = #tpu.dot_dimension_numbers<[1], [1], [0], [0], [0, 0, 1, 0], [], []>, transpose_lhs_hint = false} : vector<800x96xf32>, vector<800x96xf32>, vector<800x800xf32> -> vector<800x800xf32>
    %div3A = arith.constant 9.79795932 : f32
    %div3A_15 = vector.broadcast %div3A : f32 to vector<800x800xf32>
    %div3A_16 = arith.divf %dot_general3A_14, %div3A_15 : vector<800x800xf32>
    %reduce_max3A = arith.constant dense<0xFF800000> : vector<800xf32>
    %reduce_max3A_17 = vector.multi_reduction <maximumf>, %div3A_16, %reduce_max3A [1] : vector<800x800xf32> to vector<800xf32>
    %broadcast_in_dim3A = vector.shape_cast %reduce_max3A_17 : vector<800xf32> to vector<800x1xf32>
    %sub3A = vector.broadcast %broadcast_in_dim3A : vector<800x1xf32> to vector<800x800xf32>
    %sub3A_18 = arith.subf %div3A_16, %sub3A : vector<800x800xf32>
    %exp3A = math.exp %sub3A_18 : vector<800x800xf32>
    %reduce_sum3A = arith.constant dense<0.000000e+00> : vector<800xf32>
    %reduce_sum3A_19 = vector.multi_reduction <add>, %exp3A, %reduce_sum3A [1] : vector<800x800xf32> to vector<800xf32>
    %broadcast_in_dim3A_20 = vector.shape_cast %reduce_sum3A_19 : vector<800xf32> to vector<800x1xf32>
    %div3A_21 = vector.broadcast %broadcast_in_dim3A_20 : vector<800x1xf32> to vector<800x800xf32>
    %div3A_22 = arith.divf %exp3A, %div3A_21 : vector<800x800xf32>
    %dot_general3A_23 = arith.constant dense<0.000000e+00> : vector<800x96xf32>
    %dot_general3A_24 = tpu.matmul %div3A_22, %get3A_13, %dot_general3A_23 {dimension_numbers = #tpu.dot_dimension_numbers<[1], [0], [0], [1], [0, 0, 1, 1], [], []>, transpose_lhs_hint = false} : vector<800x800xf32>, vector<800x96xf32>, vector<800x96xf32> -> vector<800x96xf32>
    %swap3A = arith.constant 0 : index
    %swap3A_25 = arith.constant 0 : index
    %swap3A_26 = arith.constant 0 : index
    %swap3A_27 = vector.load %arg4[%swap3A, %swap3A_25, %swap3A_26] : memref<1x800x96xf32, #tpu.memory_space<vmem>>, vector<1x800x96xf32>
    %swap3A_28 = vector.shape_cast %swap3A_27 : vector<1x800x96xf32> to vector<800x96xf32>
    %swap3A_29 = vector.shape_cast %dot_general3A_24 : vector<800x96xf32> to vector<1x800x96xf32>
    tpu.vector_store %arg4[%swap3A, %swap3A_25, %swap3A_26], %swap3A_29 {strides = array<i32>} : memref<1x800x96xf32, #tpu.memory_space<vmem>>, vector<1x800x96xf32>,
    return
  }
  func.func @transform_0(%arg0: i32) -> (i32, i32, i32) {
    %c0_i32 = arith.constant 0 : i32
    %c0_i32_0 = arith.constant 0 : i32
    %c0_i32_1 = arith.constant 0 : i32
    return %arg0, %c0_i32, %c0_i32_0 : i32, i32, i32
  }
  func.func @transform_1(%arg0: i32) -> (i32, i32, i32) {
    %c0_i32 = arith.constant 0 : i32
    %c0_i32_0 = arith.constant 0 : i32
    %c0_i32_1 = arith.constant 0 : i32
    return %arg0, %c0_i32, %c0_i32_0 : i32, i32, i32
  }
  func.func @transform_2(%arg0: i32) -> (i32, i32, i32) {
    %c0_i32 = arith.constant 0 : i32
    %c0_i32_0 = arith.constant 0 : i32
    %c0_i32_1 = arith.constant 0 : i32
    return %arg0, %c0_i32, %c0_i32_0 : i32, i32, i32
  }
  func.func @transform_3(%arg0: i32) -> (i32, i32, i32) {
    %c0_i32 = arith.constant 0 : i32
    %c0_i32_0 = arith.constant 0 : i32
    %c0_i32_1 = arith.constant 0 : i32
    return %arg0, %c0_i32, %c0_i32_0 : i32, i32, i32
  }
}

module attributes {stable_mosaic.version = 14 : i64} {
  func.func @_proj_ln_body(%arg0: memref<800x768xf32, #tpu.memory_space<vmem>>, %arg1: memref<768x768xf32, #tpu.memory_space<vmem>>, %arg2: memref<1x768xf32, #tpu.memory_space<vmem>>, %arg3: memref<800x768xf32, #tpu.memory_space<vmem>>, %arg4: memref<1x768xf32, #tpu.memory_space<vmem>>, %arg5: memref<1x768xf32, #tpu.memory_space<vmem>>, %arg6: memref<800x768xf32, #tpu.memory_space<vmem>>) attributes {dimension_semantics = [], scalar_prefetch = 0 : i64, scratch_operands = 0 : i64, tpu.core_type = #tpu.core_type<tc>} {
    %get3A = arith.constant 0 : index
    %get3A_0 = arith.constant 0 : index
    %get3A_1 = vector.load %arg0[%get3A, %get3A_0] : memref<800x768xf32, #tpu.memory_space<vmem>>, vector<800x768xf32>
    %get3A_2 = arith.constant 0 : index
    %get3A_3 = arith.constant 0 : index
    %get3A_4 = vector.load %arg1[%get3A_2, %get3A_3] : memref<768x768xf32, #tpu.memory_space<vmem>>, vector<768x768xf32>
    %dot_general3A = arith.constant dense<0.000000e+00> : vector<800x768xf32>
    %dot_general3A_5 = tpu.matmul %get3A_1, %get3A_4, %dot_general3A {dimension_numbers = #tpu.dot_dimension_numbers<[1], [1], [0], [0], [0, 0, 1, 0], [], []>, transpose_lhs_hint = false} : vector<800x768xf32>, vector<768x768xf32>, vector<800x768xf32> -> vector<800x768xf32>
    %get3A_6 = arith.constant 0 : index
    %get3A_7 = arith.constant 0 : index
    %get3A_8 = vector.load %arg2[%get3A_6, %get3A_7] : memref<1x768xf32, #tpu.memory_space<vmem>>, vector<1x768xf32>
    %add3A = vector.broadcast %get3A_8 : vector<1x768xf32> to vector<800x768xf32>
    %add3A_9 = arith.addf %dot_general3A_5, %add3A : vector<800x768xf32>
    %get3A_10 = arith.constant 0 : index
    %get3A_11 = arith.constant 0 : index
    %get3A_12 = vector.load %arg3[%get3A_10, %get3A_11] : memref<800x768xf32, #tpu.memory_space<vmem>>, vector<800x768xf32>
    %add3A_13 = arith.addf %get3A_12, %add3A_9 : vector<800x768xf32>
    %reduce_sum3A = arith.constant dense<0.000000e+00> : vector<800xf32>
    %reduce_sum3A_14 = vector.multi_reduction <add>, %add3A_13, %reduce_sum3A [1] : vector<800x768xf32> to vector<800xf32>
    %broadcast_in_dim3A = vector.shape_cast %reduce_sum3A_14 : vector<800xf32> to vector<800x1xf32>
    %div3A = arith.constant 7.680000e+02 : f32
    %div3A_15 = vector.broadcast %div3A : f32 to vector<800x1xf32>
    %div3A_16 = arith.divf %broadcast_in_dim3A, %div3A_15 : vector<800x1xf32>
    %sub3A = vector.broadcast %div3A_16 : vector<800x1xf32> to vector<800x768xf32>
    %sub3A_17 = arith.subf %add3A_13, %sub3A : vector<800x768xf32>
    %integer_pow3A = arith.mulf %sub3A_17, %sub3A_17 : vector<800x768xf32>
    %reduce_sum3A_18 = arith.constant dense<0.000000e+00> : vector<800xf32>
    %reduce_sum3A_19 = vector.multi_reduction <add>, %integer_pow3A, %reduce_sum3A_18 [1] : vector<800x768xf32> to vector<800xf32>
    %broadcast_in_dim3A_20 = vector.shape_cast %reduce_sum3A_19 : vector<800xf32> to vector<800x1xf32>
    %div3A_21 = arith.constant 7.680000e+02 : f32
    %div3A_22 = vector.broadcast %div3A_21 : f32 to vector<800x1xf32>
    %div3A_23 = arith.divf %broadcast_in_dim3A_20, %div3A_22 : vector<800x1xf32>
    %sub3A_24 = vector.broadcast %div3A_16 : vector<800x1xf32> to vector<800x768xf32>
    %sub3A_25 = arith.subf %add3A_13, %sub3A_24 : vector<800x768xf32>
    %add3A_26 = arith.constant 9.99999974E-6 : f32
    %add3A_27 = vector.broadcast %add3A_26 : f32 to vector<800x1xf32>
    %add3A_28 = arith.addf %div3A_23, %add3A_27 : vector<800x1xf32>
    %sqrt3A = math.sqrt %add3A_28 : vector<800x1xf32>
    %div3A_29 = vector.broadcast %sqrt3A : vector<800x1xf32> to vector<800x768xf32>
    %div3A_30 = arith.divf %sub3A_25, %div3A_29 : vector<800x768xf32>
    %get3A_31 = arith.constant 0 : index
    %get3A_32 = arith.constant 0 : index
    %get3A_33 = vector.load %arg4[%get3A_31, %get3A_32] : memref<1x768xf32, #tpu.memory_space<vmem>>, vector<1x768xf32>
    %mul3A = vector.broadcast %get3A_33 : vector<1x768xf32> to vector<800x768xf32>
    %mul3A_34 = arith.mulf %div3A_30, %mul3A : vector<800x768xf32>
    %get3A_35 = arith.constant 0 : index
    %get3A_36 = arith.constant 0 : index
    %get3A_37 = vector.load %arg5[%get3A_35, %get3A_36] : memref<1x768xf32, #tpu.memory_space<vmem>>, vector<1x768xf32>
    %add3A_38 = vector.broadcast %get3A_37 : vector<1x768xf32> to vector<800x768xf32>
    %add3A_39 = arith.addf %mul3A_34, %add3A_38 : vector<800x768xf32>
    %swap3A = arith.constant 0 : index
    %swap3A_40 = arith.constant 0 : index
    %swap3A_41 = vector.load %arg6[%swap3A, %swap3A_40] : memref<800x768xf32, #tpu.memory_space<vmem>>, vector<800x768xf32>
    tpu.vector_store %arg6[%swap3A, %swap3A_40], %add3A_39 {strides = array<i32>} : memref<800x768xf32, #tpu.memory_space<vmem>>, vector<800x768xf32>,
    return
  }
}

module attributes {stable_mosaic.version = 14 : i64} {
  func.func @_ffn1_body(%arg0: i32, %arg1: memref<600x768xf32, #tpu.memory_space<vmem>>, %arg2: memref<768x768xf32, #tpu.memory_space<vmem>>, %arg3: memref<1x768xf32, #tpu.memory_space<vmem>>, %arg4: memref<600x768xf32, #tpu.memory_space<vmem>>) attributes {dimension_semantics = [#tpu.dimension_semantics<arbitrary>], iteration_bounds = array<i64: 4>, scalar_prefetch = 0 : i64, scratch_operands = 0 : i64, tpu.core_type = #tpu.core_type<tc>, window_params = [{pipeline_mode = #tpu.pipeline_mode<synchronous>, transform_indices = @transform_0, window_bounds = array<i64: 600, 768>}, {transform_indices = @transform_1, window_bounds = array<i64: 768, 768>}, {transform_indices = @transform_2, window_bounds = array<i64: 1, 768>}, {transform_indices = @transform_3, window_bounds = array<i64: 600, 768>}]} {
    %get3A = arith.constant 0 : index
    %get3A_0 = arith.constant 0 : index
    %get3A_1 = vector.load %arg1[%get3A, %get3A_0] : memref<600x768xf32, #tpu.memory_space<vmem>>, vector<600x768xf32>
    %get3A_2 = arith.constant 0 : index
    %get3A_3 = arith.constant 0 : index
    %get3A_4 = vector.load %arg2[%get3A_2, %get3A_3] : memref<768x768xf32, #tpu.memory_space<vmem>>, vector<768x768xf32>
    %dot_general3A = arith.constant dense<0.000000e+00> : vector<600x768xf32>
    %dot_general3A_5 = tpu.matmul %get3A_1, %get3A_4, %dot_general3A {dimension_numbers = #tpu.dot_dimension_numbers<[1], [1], [0], [0], [0, 0, 1, 0], [], []>, transpose_lhs_hint = false} : vector<600x768xf32>, vector<768x768xf32>, vector<600x768xf32> -> vector<600x768xf32>
    %get3A_6 = arith.constant 0 : index
    %get3A_7 = arith.constant 0 : index
    %get3A_8 = vector.load %arg3[%get3A_6, %get3A_7] : memref<1x768xf32, #tpu.memory_space<vmem>>, vector<1x768xf32>
    %add3A = vector.broadcast %get3A_8 : vector<1x768xf32> to vector<600x768xf32>
    %add3A_9 = arith.addf %dot_general3A_5, %add3A : vector<600x768xf32>
    %mul3A = arith.constant 5.000000e-01 : f32
    %mul3A_10 = vector.broadcast %mul3A : f32 to vector<600x768xf32>
    %mul3A_11 = arith.mulf %mul3A_10, %add3A_9 : vector<600x768xf32>
    %mul3A_12 = arith.constant 0.707106769 : f32
    %mul3A_13 = vector.broadcast %mul3A_12 : f32 to vector<600x768xf32>
    %mul3A_14 = arith.mulf %add3A_9, %mul3A_13 : vector<600x768xf32>
    %erf3A = math.erf %mul3A_14 : vector<600x768xf32>
    %add3A_15 = arith.constant 1.000000e+00 : f32
    %add3A_16 = vector.broadcast %add3A_15 : f32 to vector<600x768xf32>
    %add3A_17 = arith.addf %add3A_16, %erf3A : vector<600x768xf32>
    %mul3A_18 = arith.mulf %mul3A_11, %add3A_17 : vector<600x768xf32>
    %swap3A = arith.constant 0 : index
    %swap3A_19 = arith.constant 0 : index
    %swap3A_20 = vector.load %arg4[%swap3A, %swap3A_19] : memref<600x768xf32, #tpu.memory_space<vmem>>, vector<600x768xf32>
    tpu.vector_store %arg4[%swap3A, %swap3A_19], %mul3A_18 {strides = array<i32>} : memref<600x768xf32, #tpu.memory_space<vmem>>, vector<600x768xf32>,
    return
  }
  func.func @transform_0(%arg0: i32) -> (i32, i32) {
    %c0_i32 = arith.constant 0 : i32
    %c0_i32_0 = arith.constant 0 : i32
    %c0_i32_1 = arith.constant 0 : i32
    return %c0_i32, %c0_i32_0 : i32, i32
  }
  func.func @transform_1(%arg0: i32) -> (i32, i32) {
    %c0_i32 = arith.constant 0 : i32
    %c0_i32_0 = arith.constant 0 : i32
    return %arg0, %c0_i32 : i32, i32
  }
  func.func @transform_2(%arg0: i32) -> (i32, i32) {
    %c0_i32 = arith.constant 0 : i32
    %c0_i32_0 = arith.constant 0 : i32
    return %c0_i32, %arg0 : i32, i32
  }
  func.func @transform_3(%arg0: i32) -> (i32, i32) {
    %c0_i32 = arith.constant 0 : i32
    %c0_i32_0 = arith.constant 0 : i32
    return %c0_i32, %arg0 : i32, i32
  }
}

module attributes {stable_mosaic.version = 14 : i64} {
  func.func @_ffn2_body(%arg0: memref<600x3072xf32, #tpu.memory_space<vmem>>, %arg1: memref<768x3072xf32, #tpu.memory_space<vmem>>, %arg2: memref<1x768xf32, #tpu.memory_space<vmem>>, %arg3: memref<600x768xf32, #tpu.memory_space<vmem>>, %arg4: memref<1x768xf32, #tpu.memory_space<vmem>>, %arg5: memref<1x768xf32, #tpu.memory_space<vmem>>, %arg6: memref<600x768xf32, #tpu.memory_space<vmem>>) attributes {dimension_semantics = [], scalar_prefetch = 0 : i64, scratch_operands = 0 : i64, tpu.core_type = #tpu.core_type<tc>} {
    %get3A = arith.constant 0 : index
    %get3A_0 = arith.constant 0 : index
    %get3A_1 = vector.load %arg0[%get3A, %get3A_0] : memref<600x3072xf32, #tpu.memory_space<vmem>>, vector<600x3072xf32>
    %get3A_2 = arith.constant 0 : index
    %get3A_3 = arith.constant 0 : index
    %get3A_4 = vector.load %arg1[%get3A_2, %get3A_3] : memref<768x3072xf32, #tpu.memory_space<vmem>>, vector<768x3072xf32>
    %dot_general3A = arith.constant dense<0.000000e+00> : vector<600x768xf32>
    %dot_general3A_5 = tpu.matmul %get3A_1, %get3A_4, %dot_general3A {dimension_numbers = #tpu.dot_dimension_numbers<[1], [1], [0], [0], [0, 0, 1, 0], [], []>, transpose_lhs_hint = false} : vector<600x3072xf32>, vector<768x3072xf32>, vector<600x768xf32> -> vector<600x768xf32>
    %get3A_6 = arith.constant 0 : index
    %get3A_7 = arith.constant 0 : index
    %get3A_8 = vector.load %arg2[%get3A_6, %get3A_7] : memref<1x768xf32, #tpu.memory_space<vmem>>, vector<1x768xf32>
    %add3A = vector.broadcast %get3A_8 : vector<1x768xf32> to vector<600x768xf32>
    %add3A_9 = arith.addf %dot_general3A_5, %add3A : vector<600x768xf32>
    %get3A_10 = arith.constant 0 : index
    %get3A_11 = arith.constant 0 : index
    %get3A_12 = vector.load %arg3[%get3A_10, %get3A_11] : memref<600x768xf32, #tpu.memory_space<vmem>>, vector<600x768xf32>
    %add3A_13 = arith.addf %get3A_12, %add3A_9 : vector<600x768xf32>
    %reduce_sum3A = arith.constant dense<0.000000e+00> : vector<600xf32>
    %reduce_sum3A_14 = vector.multi_reduction <add>, %add3A_13, %reduce_sum3A [1] : vector<600x768xf32> to vector<600xf32>
    %broadcast_in_dim3A = vector.shape_cast %reduce_sum3A_14 : vector<600xf32> to vector<600x1xf32>
    %div3A = arith.constant 7.680000e+02 : f32
    %div3A_15 = vector.broadcast %div3A : f32 to vector<600x1xf32>
    %div3A_16 = arith.divf %broadcast_in_dim3A, %div3A_15 : vector<600x1xf32>
    %sub3A = vector.broadcast %div3A_16 : vector<600x1xf32> to vector<600x768xf32>
    %sub3A_17 = arith.subf %add3A_13, %sub3A : vector<600x768xf32>
    %integer_pow3A = arith.mulf %sub3A_17, %sub3A_17 : vector<600x768xf32>
    %reduce_sum3A_18 = arith.constant dense<0.000000e+00> : vector<600xf32>
    %reduce_sum3A_19 = vector.multi_reduction <add>, %integer_pow3A, %reduce_sum3A_18 [1] : vector<600x768xf32> to vector<600xf32>
    %broadcast_in_dim3A_20 = vector.shape_cast %reduce_sum3A_19 : vector<600xf32> to vector<600x1xf32>
    %div3A_21 = arith.constant 7.680000e+02 : f32
    %div3A_22 = vector.broadcast %div3A_21 : f32 to vector<600x1xf32>
    %div3A_23 = arith.divf %broadcast_in_dim3A_20, %div3A_22 : vector<600x1xf32>
    %sub3A_24 = vector.broadcast %div3A_16 : vector<600x1xf32> to vector<600x768xf32>
    %sub3A_25 = arith.subf %add3A_13, %sub3A_24 : vector<600x768xf32>
    %add3A_26 = arith.constant 9.99999974E-6 : f32
    %add3A_27 = vector.broadcast %add3A_26 : f32 to vector<600x1xf32>
    %add3A_28 = arith.addf %div3A_23, %add3A_27 : vector<600x1xf32>
    %sqrt3A = math.sqrt %add3A_28 : vector<600x1xf32>
    %div3A_29 = vector.broadcast %sqrt3A : vector<600x1xf32> to vector<600x768xf32>
    %div3A_30 = arith.divf %sub3A_25, %div3A_29 : vector<600x768xf32>
    %get3A_31 = arith.constant 0 : index
    %get3A_32 = arith.constant 0 : index
    %get3A_33 = vector.load %arg4[%get3A_31, %get3A_32] : memref<1x768xf32, #tpu.memory_space<vmem>>, vector<1x768xf32>
    %mul3A = vector.broadcast %get3A_33 : vector<1x768xf32> to vector<600x768xf32>
    %mul3A_34 = arith.mulf %div3A_30, %mul3A : vector<600x768xf32>
    %get3A_35 = arith.constant 0 : index
    %get3A_36 = arith.constant 0 : index
    %get3A_37 = vector.load %arg5[%get3A_35, %get3A_36] : memref<1x768xf32, #tpu.memory_space<vmem>>, vector<1x768xf32>
    %add3A_38 = vector.broadcast %get3A_37 : vector<1x768xf32> to vector<600x768xf32>
    %add3A_39 = arith.addf %mul3A_34, %add3A_38 : vector<600x768xf32>
    %swap3A = arith.constant 0 : index
    %swap3A_40 = arith.constant 0 : index
    %swap3A_41 = vector.load %arg6[%swap3A, %swap3A_40] : memref<600x768xf32, #tpu.memory_space<vmem>>, vector<600x768xf32>
    tpu.vector_store %arg6[%swap3A, %swap3A_40], %add3A_39 {strides = array<i32>} : memref<600x768xf32, #tpu.memory_space<vmem>>, vector<600x768xf32>,
    return
  }
}

</mosaic_0001>

<sc_bundles>
// kernel: sparse-core-data-format-call.cloned.1.call-start
scs
called_computation_lowered:
.L_overlay_start_0:
0x0: {  	s1 =	sld [smem:$0x3FD9]  }
0x1: {  	s2 =	sld [smem:$0x3FFE];
	_ =	sdelay $0x1  }
0x2: {  	s3 =	srdreg.scid  }
0x3: {  	s0 =	sand.u32 $0x1, s3  }
0x4: {  	s17 =	sshll.u32 s0, $0xA;
	s1 =	sadd.s32 s2, s1  }
0x5: {  	s1 =	sadd.s32 s1, s17  }
0x6: {  	[smem:$0x3FBB] =	sst s1  }
0x7: {  	_ = 	snop  }
0x8: {  	(tm) =	ssettm $0x1  }
0x9: {  	s18 =	sld [smem:$0x3FFB];
	_ =	sdelay $0x3  }
0xa: {  	_ =	strace s18  }
0xb: {  	s1 =	sld [smem:$0x3FFC];
	_ =	sdelay $0x3  }
0xc: {  	_ =	strace s1  }
0xd: {  	s1 =	sld [smem:$0x3FFD];
	_ =	sdelay $0x3  }
0xe: {  	_ =	strace s1  }
0xf: {  	_ =	strace $0x8FFFFFFF  }
0x10: {  	s19 =	sld [smem:$0x3FDB];
	_ =	sdelay $0x1  }
0x11: {  	s20 =	simm.s32 $_scs_section_size  }
0x12: {  	s4 =	simm.s32 $_size__tile_overlayer_lowered;
	s5 =	simm.s32 $_tile_overlayer_lowered  }
0x13: {  	s23 =	simm.s32 $0x1BFF;
	s22 =	sshll.u32 s5, $0x1;
	s1 =	sadd.s32 s20, s19  }
0x14: {  	s6 =	simm.s32 $0x0;
	s21 =	sshll.u32 s4, $0x1;
	s4 =	sadd.s32 s22, s1  }
0x15: {  	[timem:s6], [sflag:s23] =	dma.local [hbm:s4], s21  }
0x16: {  	_ =	swait.ge [sflag:s23], s21  }
0x17: {  	s2 =	ssub.s32 $0x0, s21;
	[sflag:s23] =	ssyncset.done $0x0  }
0x18: {  	[sflag:s23] =	ssyncadd.s32 s2;
	_ =	sdelay $0x1  }
0x19: {  	s24 =	simm.s32 $0x1B8B  }
0x1a: {  	_ =	swait.ge [sflag:s24], $0x1  }
0x1b: {  	[sflag:s24] =	ssyncset.done $0x0  }
0x1c: {  	s26 =	simm.s32 $0x1B8E;
	s25 =	sld [smem:$0x3FFE];
	[sflag:s24] =	ssyncadd.s32 $0xFFFFFFFF  }
0x1d: {  	s27 =	simm.s32 $execute0_lowered;
	[smem:$0x3FD2] =	sst s26  }
0x1e: {  	s4 =	sshll.u32 s27, $0x1;
	_ =	strace $0x80000046;
	[dreg:$0x1] =	wrdreg $0xFFFFFFFF  }
0x1f: {  	s28 =	simm.s32 $_size_execute0_lowered;
	s1 =	sadd.s32 s1, s4;
	[dreg:$0x0] =	wrdreg $0x0  }
0x20: {  	s4 =	sshll.u32 s28, $0x1;
	[dreg:$0x2] =	wrdreg s1  }
0x21: {  	[dreg:$0x3] =	wrdreg s4  }
0x22: {  	[dreg:$0x4] =	wrdreg $0xC0  }
0x23: {  	_ =	task [dreg:s6], $0x5FFFF  }
0x24: {  	[dreg:$0x1] =	wrdreg $0xFFFFFFFF  }
0x25: {  	[dreg:$0x0] =	wrdreg $0x60  }
0x26: {  	[dreg:$0x2] =	wrdreg s25  }
0x27: {  	[dreg:$0x3] =	wrdreg $0x9  }
0x28: {  	_ =	task.clear_ibuf [dreg:s6], $0x4FFFF;
	_ =	strace $0x90000046  }
0x29: {  	s29 =	simm.s32 $0x9;
	_ =	strace $0x80000048  }
0x2a: {  	_ =	swait.ge [sflag:s29], $0x1  }
0x2b: {  	[sflag:s29] =	ssyncadd.s32 $0xFFFFFFFF  }
0x2c: {  	_ =	strace $0x90000048  }
0x2d: {  	_ =	sfence  }
0x2e: {  	s30 =	sld [smem:$0x0];
	_ =	sdelay $0x2  }
0x2f: {  	s31 =	sshll.u32 s3, $0xD;
	s3 =	sshrl.u32 s3, $0x2  }
0x30: {  	s2 =	sand.u32 $0x4000, s31;
	s1 =	sadd.s32 s3, s30  }
0x31: {  	s0 =	sor.u32 s2, s0;
	s1 =	sshll.u32 s1, $0x11  }
0x32: {  	s0 =	sor.u32 s1, s0  }
0x33: {  	s0 =	sadd.s32 $0x8F2B, s0  }
0x34: {  	[sflag:s0] =	ssyncadd.remote.s32 $0x1  }
0x35: {  	_ =	sfence.sel $0xFFFF  }
0x36: {  	[dreg:$0x0] =	wrdreg $0xFFFFFFFF;
	(pc) =	sbr.abs _section_cstart, $3  }
0x37: {  	[dreg:$0x1] =	wrdreg $0xFFFFFFFF  }
0x38: {  	_ =	task.clear_ibuf [dreg:s6], $0x2FFFF;
	_ =	strace $0x9FFFFFFF  }
0x39: {  	(tm) =	ssettm $0x7FFFFFFF  }
tec
execute0_lowered:
.L_overlay_start_1:
0x0: {  	(tag) =	ssettag $0x1  }
0x1: {  	s0 =	srdreg.scid  }
0x2: {  	s1 =	sshll.u32 s0, $0x4  }
0x3: {  	s0 =	stileid.u32;
	s1 =	sand.u32 $0x10, s1  }
0x4: {  	s3 =	rddreg [dreg:$0x0];
	s1 =	sor.u32 s0, s1  }
0x5: {  	s4 =	simm.s32 $0x1;
	s7 =	simm.s32 $0x2;
	s2 =	sshll.u32 s1, $0x7  }
0x6: {  	s12 =	simm.s32 $0x0;
	s8 =	simm.s32 $0x6400;
	s6 =	ssub.s32 $0xC80, s2  }
0x7: {  	s13 =	simm.s32 $0x0;
	s9 =	simm.s32 $0x0;
	p0 =	sgt.s32 s6, $0x0  }
.Ltmp0:
0x8: {  	s11 =	simm.s32 $0x0;
	s6 =	simm.s32 @!p0 $0x0;
	(pc) =	sbr.rel .LBB1_1-.Ltmp0, $4  }
0x9: {  	s5 =	sadd.s32 $0x138800, s3;
	s1 =	rddreg [dreg:$0x1];
	s6 =	sand.u32 $0xF80, s6  }
0xa: {  	_ =	strace $0x80000047;
	p0 =	seq.s32 s6, $0x0;
	s6 =	simm.s32 $0x0  }
0xb: {  	[sflag:s4] =	ssyncpa.u1 $0x0;
	s10 =	smov.u32 s2;
	s6 =	simm.s32 @!p0 $0x19  }
0xc: {  	[sflag:s7] =	ssyncpa.u1 $0x0;
	p0 =	por $0x0, $0x0;
	s7 =	sadd.s32 $0x1, s6  }
.LBB1_4:
0xd: {  	s19 =	sshrl.u32 s12, $0x3  }
0xe: {  	s20 =	sshll.u32 s13, $0x3;
	s19 =	smul.u32 $0x6400, s19  }
0xf: {  	s24 =	sshll.u32 s12, $0x7;
	s20 =	sand.u32 $0xFFFFFC00, s20  }
0x10: {  	s12 =	sand.u32 $0x380, s24;
	s19 =	sadd.s32 s20, s19  }
0x11: {  	s12 =	sor.u32 s12, s19  }
0x12: {  	v5 =	vld [tilespmem:s16+$0xFFFFFFD0];
	[tilespmem:s17+$0x2040 ss:$0x81] =	vst.msk $0xffff, v4;
	s25 =	sand.u32 $0x7F, s13;
	s19 =	smulhi.u32 $0x51EB851F, s12  }
0x13: {  	v58 =	vld [tilespmem:s16+$0xFFFFFFE0];
	[tilespmem:s17+$0x2850 ss:$0x81] =	vst.msk $0xffff, v3;
	s12 =	sor.u32 s25, s12  }
0x14: {  	s26 =	sshra.s32 s18, $0x2;
	v59 =	vld [tilespmem:s16+$0xFFFFFFF0];
	[tilespmem:s17+$0x3060 ss:$0x81] =	vst.msk $0xffff, v2;
	s27 =	smulhi.u32 $0x51EB851F, s12;
	s19 =	sshrl.u32 s19, $0xA  }
0x15: {  	v60 =	vld [tilespmem:s16+$0x0];
	[tilespmem:s17+$0x0 ss:$0x81] =	vst.msk $0xffff, v0;
	s13 =	sadd.s32 s26, s15;
	s28 =	smulhi.u32 $0x28F5C3, s19  }
0x16: {  	v61 =	vld [tilespmem:s16+$0x10];
	[tilespmem:s13+$0x3870 ss:$0x81] =	vst.msk $0xffff, v1;
	s29 =	sshrl.u32 s27, $0xA  }
0x17: {  	v62 =	vld [tilespmem:s16+$0x20];
	[tilespmem:s13+$0x810 ss:$0x81] =	vst.msk $0xffff, v5;
	s17 =	smul.u32 $0xC80, s29;
	s15 =	sshrl.u32 s28, $0x1  }
0x18: {  	v63 =	vld [tilespmem:s16+$0xFFFFFFC0];
	[tilespmem:s13+$0x1020 ss:$0x81] =	vst.msk $0xffff, v58;
	s15 =	smul.u32 $0xC80, s15  }
0x19: {  	[tilespmem:s13+$0x1830 ss:$0x81] =	vst.msk $0xffff, v59  }
0x1a: {  	[tilespmem:s13+$0x2040 ss:$0x81] =	vst.msk $0xffff, v60;
	s12 =	ssub.s32 s12, s17;
	s15 =	ssub.s32 s19, s15  }
0x1b: {  	[tilespmem:s13+$0x2850 ss:$0x81] =	vst.msk $0xffff, v61;
	s30 =	sshrl.u32 s12, $0x3;
	s12 =	sand.u32 $0x7, s12;
	s15 =	smul.u32 $0x190, s15  }
0x1c: {  	[tilespmem:s13+$0x3060 ss:$0x81] =	vst.msk $0xffff, v62;
	s16 =	sadd.s32 s5, s30;
	s12 =	sshll.u32 s12, $0x12  }
0x1d: {  	[tilespmem:s13+$0x0 ss:$0x81] =	vst.msk $0xffff, v63;
	s12 =	sor.u32 $0x400, s12;
	s31 =	sadd.s32 s15, s16  }
0x1e: {  	[hbm4b:s31+s12] =	stream.strided.scatter [tilespmem:s14], [sflag:$0x2], $0x4000, s8, s12, $0x20;
	[tilespmem:$0x10100] =	vst v63  }
.LBB1_5:
0x1f: {  	s14 =	sadd.s32 $0x80, s9  }
0x20: {  	s12 =	sadd.s32 $0x1000, s10;
	s16 =	smov.u32 s10;
	p2 =	sgt.s32 s14, $0xC7F  }
0x21: {  	s16 =	smov.u32 @p2 s12  }
0x22: {  	s14 =	simm.s32 @p2 $0x0;
	p2 =	sgt.s32 s16, $0xC7F  }
0x23: {  	s16 =	smov.u32 @p2 s2;
	p2 =	sne.s32 s11, s7  }
.Ltmp1:
0x24: {  	p1 =	slt.u32 s11, $0x2;
	(pc) =	sbr.rel @!p2 .LBB1_6-.Ltmp1, $4  }
0x25: {  	s15 =	simm.s32 @!p1 $0x2  }
0x26: {  	s13 =	smov.u32 s10;
	p0 =	por !p0, !p0;
	_ =	swait.ge @!p1 [sflag:s15], $0x4000  }
0x27: {  	s12 =	smov.u32 s9;
	[sflag:s15] =	ssyncset.done @!p1 $0x0;
	s9 =	smov.u32 s14  }
0x28: {  	s11 =	sadd.s32 $0x1, s11;
	[sflag:s15] =	ssyncadd.s32 @!p1 $0xFFFFC000;
	s10 =	smov.u32 s16  }
.LBB1_1:
0x29: {  	p1 =	sge.u32 s11, s6  }
0x2a: {  	s14 =	sshrl.u32 @!p1 s10, $0x3  }
0x2b: {  	s15 =	sshll.u32 @!p1 s9, $0x3;
	s14 =	smul.u32 @!p1 $0x6400, s14  }
0x2c: {  	s16 =	sshll.u32 @!p1 s10, $0x7;
	s15 =	sand.u32 @!p1 $0xFFFFFC00, s15  }
0x2d: {  	s14 =	sadd.s32 @!p1 s14, s15;
	s15 =	sand.u32 @!p1 $0x380, s16  }
0x2e: {  	s14 =	sor.u32 @!p1 s15, s14  }
0x2f: {  	s15 =	sand.u32 @!p1 $0x7F, s9;
	s16 =	smulhi.u32 @!p1 $0x51EB851F, s14  }
0x30: {  	s14 =	sor.u32 @!p1 s15, s14  }
0x31: {  	s15 =	smulhi.u32 @!p1 $0x51EB851F, s14;
	s16 =	sshrl.u32 @!p1 s16, $0xA  }
0x32: {  	s17 =	smulhi.u32 @!p1 $0x28F5C3, s16  }
0x33: {  	s15 =	sshrl.u32 @!p1 s15, $0xA  }
0x34: {  	s15 =	smul.u32 @!p1 $0xC80, s15;
	s17 =	sshrl.u32 @!p1 s17, $0x1  }
0x35: {  	s17 =	smul.u32 @!p1 $0xC80, s17  }
0x36: {  	s31 =	sadd.s32 $0xFFFFFFFF, s11;
	s18 =	sxor.u32 @!p1 $0xFFFFFFFF, s11  }
0x37: {  	s14 =	ssub.s32 @!p1 s14, s15;
	s15 =	sshll.u32 @!p1 s18, $0xE;
	s16 =	ssub.s32 @!p1 s16, s17  }
0x38: {  	s17 =	sshrl.u32 @!p1 s14, $0x3;
	s14 =	sand.u32 @!p1 $0x7, s14;
	s16 =	smul.u32 @!p1 $0x190, s16  }
0x39: {  	s15 =	sand.u32 @!p1 $0x4000, s15;
	s17 =	sadd.s32 @!p1 s3, s17;
	s14 =	sshll.u32 @!p1 s14, $0x12  }
0x3a: {  	s14 =	sor.u32 @!p1 $0x400, s14;
	s16 =	sadd.s32 @!p1 s16, s17;
	s17 =	simm.s32 @!p1 $0x6400  }
0x3b: {  	[tilespmem:s15], [sflag:$0x1] =	stream.strided.gather @!p1 [hbm4b:s16+s14], $0x4000, s17, s14, $0x38;
	[tilespmem:$0x10100] =	vst v63  }
0x3c: {  	p1 =	sge.u32 s31, s6  }
.Ltmp2:
0x3d: {  	_ = 	snop;
	(pc) =	sbr.rel @p1 .LBB1_5-.Ltmp2, $1  }
0x3e: {  	_ =	sdelay $0x3  }
0x3f: {  	s14 =	simm.s32 $0x1  }
0x40: {  	_ =	swait.ge [sflag:s4], $0x4000;
	s14 =	simm.s32 @!p0 $0x0  }
0x41: {  	[sflag:s4] =	ssyncset.done $0x0;
	s15 =	sshll.u32 s14, $0xE  }
0x42: {  	[sflag:s4] =	ssyncadd.s32 $0xFFFFC000;
	s16 =	sor.u32 $0x40, s15  }
0x43: {  	s14 =	smul.u32 $0x10200, s14;
	v0 =	vld [tilespmem:s16+$0x30]  }
0x44: {  	v1 =	vld [tilespmem:s16+$0xFFFFFFD0]  }
0x45: {  	s14 =	sshrl.u32 s14, $0x2;
	v5 =	vld [tilespmem:s16+$0xFFFFFFE0]  }
0x46: {  	v6 =	vld [tilespmem:s16+$0xFFFFFFF0];
	s15 =	sor.u32 $0x8000, s14  }
0x47: {  	s31 =	sand.u32 $0x1, s11;
	v4 =	vld [tilespmem:s16+$0x0];
	s17 =	sadd.s32 $0x0, s15  }
0x48: {  	v3 =	vld [tilespmem:s16+$0x10];
	s14 =	smul.u32 $0x10200, s31;
	[tilespmem:s17+$0x3870 ss:$0x81] =	vst.msk $0xffff, v0  }
0x49: {  	v2 =	vld [tilespmem:s16+$0x20];
	[tilespmem:s17+$0x810 ss:$0x81] =	vst.msk $0xffff, v1  }
0x4a: {  	s14 =	sshrl.u32 s14, $0x2;
	v0 =	vld [tilespmem:s16+$0xFFFFFFC0];
	[tilespmem:s17+$0x1020 ss:$0x81] =	vst.msk $0xffff, v5;
	s16 =	sadd.s32 $0x80, s16  }
0x4b: {  	s18 =	simm.s32 $0x4;
	s19 =	simm.s32 $0x8;
	s14 =	sor.u32 $0x8000, s14;
	[tilespmem:s17+$0x1830 ss:$0x81] =	vst.msk $0xffff, v6;
	v1 =	vld [tilespmem:s16+$0x30]  }
.LBB1_3:
0x4c: {  	p1 =	sne.s32 s19, $0x1FC;
	v5 =	vld [tilespmem:s16+$0xFFFFFFD0];
	[tilespmem:s17+$0x2040 ss:$0x81] =	vst.msk $0xffff, v4  }
0x4d: {  	v6 =	vld [tilespmem:s16+$0xFFFFFFE0];
	[tilespmem:s17+$0x2850 ss:$0x81] =	vst.msk $0xffff, v3  }
0x4e: {  	s20 =	sshra.s32 s18, $0x2;
	s18 =	smov.u32 s19;
	v7 =	vld [tilespmem:s16+$0xFFFFFFF0];
	[tilespmem:s17+$0x3060 ss:$0x81] =	vst.msk $0xffff, v2  }
.Ltmp3:
0x4f: {  	v4 =	vld [tilespmem:s16+$0x0];
	[tilespmem:s17+$0x0 ss:$0x81] =	vst.msk $0xffff, v0;
	s17 =	sadd.s32 s20, s15;
	(pc) =	sbr.rel @p1 .LBB1_3-.Ltmp3, $4  }
0x50: {  	v3 =	vld [tilespmem:s16+$0x10];
	[tilespmem:s17+$0x3870 ss:$0x81] =	vst.msk $0xffff, v1  }
0x51: {  	[tilespmem:s17+$0x810 ss:$0x81] =	vst.msk $0xffff, v5;
	v2 =	vld [tilespmem:s16+$0x20]  }
0x52: {  	v0 =	vld [tilespmem:s16+$0xFFFFFFC0];
	[tilespmem:s17+$0x1020 ss:$0x81] =	vst.msk $0xffff, v6;
	s16 =	sadd.s32 $0x80, s16  }
0x53: {  	s19 =	sadd.s32 $0x4, s19;
	v1 =	vld [tilespmem:s16+$0x30];
	[tilespmem:s17+$0x1830 ss:$0x81] =	vst.msk $0xffff, v7  }
.Ltmp4:
0x54: {  	_ = 	snop;
	(pc) =	sbr.rel .LBB1_4-.Ltmp4, $1  }
0x55: {  	_ =	sdelay $0x3  }
.LBB1_6:
0x56: {  	_ =	sfence.sel $0x180000  }
0x57: {  	s2 =	simm.s32 $0x1;
	[bflag:$0x0] =	sbarrier.arrive $0xFFFF  }
0x58: {  	s31 =	simm.s32 $0x2;
	[sflag:s2] =	ssyncpa.u1 $0x1  }
0x59: {  	[sflag:s31] =	ssyncpa.u1 $0x1  }
0x5a: {  	p0 =	sne.s32 s0, $0x0;
	_ =	strace $0x90000047  }
0x5b: {  	s0 =	sadd.s32 @!p0 $0x100000, s1;
	[bflag:$0x2] =	sbarrier.arrive $0xFFFF  }
0x5c: {  	[sflag:s0] =	ssyncadd.tile.s32 @!p0 $0x1;
	_ =	shalt  }
.Lfunc_end1:
_tile_overlayer_lowered:
.L_overlay_start_2:
0x5d: {  	(tag) =	ssettag $0x2  }
0x5e: {  	s0 =	rddreg [dreg:$0x0];
	s2 =	stileid.u32  }
0x5f: {  	s1 =	rddreg [dreg:$0x1];
	p0 =	sne.s32 s2, $0x0  }
0x60: {  	s3 =	rddreg [dreg:$0x2];
	[bflag:$0x3] =	sbarrier.arrive $0xFFFF;
	s2 =	simm.s32 @!p0 $0x1C01  }
0x61: {  	[timem:s3], [sflag:s2] =	dma.local @!p0 [hbm:s0], s1  }
0x62: {  	s0 =	simm.s32 @!p0 $0x1  }
0x63: {  	_ =	swait.ge @!p0 [sflag:s0], s1  }
0x64: {  	s1 =	ssub.s32 @!p0 $0x0, s1;
	[sflag:s0] =	ssyncset.done @!p0 $0x0  }
0x65: {  	[sflag:s0] =	ssyncadd.s32 @!p0 s1  }
0x66: {  	[bflag:$0x3] =	sbarrier.arrive $0xFFFF  }
0x67: {  	_ =	shalt  }

</sc_bundles>
